<compile_context>
chip_gen: v7x
topology: tpu7x:2x2x1
jax: 0.10.2.dev20260603
libtpu: 0.0.44.dev20260713+nightly
codegen_flags: <defaults>
</compile_context>

<pallas_src>
import functools

import jax
import jax.numpy as jnp
from jax import lax
from jax.experimental import pallas as pl
from jax.experimental.pallas import tpu as pltpu
from jax.experimental.pallas import tpu_sc as plsc

DIM = 128
NUM_HEADS = 4
HEAD_DIM = DIM // NUM_HEADS
SCALE = HEAD_DIM ** (-0.5)
EPAD = 16
B_SEG = 1024

ROWS_PER_BLOCK = 2000

NUM_WORKERS = 32
CHUNK_ROWS = 80

SLICES = (320000,)


def _head_expand(e16, rows):
  col = lax.broadcasted_iota(jnp.int32, (rows, DIM), 1)
  e_wide = jnp.where(col < HEAD_DIM, e16[:, 0:1], 0.0)
  for h in range(1, NUM_HEADS):
    in_head = (col >= h * HEAD_DIM) & (col < (h + 1) * HEAD_DIM)
    e_wide = e_wide + jnp.where(in_head, e16[:, h:h + 1], 0.0)
  return e_wide


def _dense_body(x_ref, wc_ref, qkb_ref, vb_ref, w_ref, e_ref):
  x = x_ref[...]
  y = lax.dot_general(
      x, wc_ref[...], (((1,), (0,)), ((), ())),
      precision=lax.Precision.DEFAULT,
      preferred_element_type=jnp.float32)
  v = y[:, :DIM] + vb_ref[...]
  e_wide = jnp.exp(jnp.clip(y[:, DIM:] + qkb_ref[...], -20.0, 20.0))
  w_ref[...] = e_wide * v
  row = lax.broadcasted_iota(jnp.int32, (DIM, EPAD), 0)
  col = lax.broadcasted_iota(jnp.int32, (DIM, EPAD), 1)
  esel = (row == HEAD_DIM * col).astype(jnp.float32)
  e_ref[...] = lax.dot_general(
      e_wide, esel, (((1,), (0,)), ((), ())),
      precision=lax.Precision.DEFAULT,
      preferred_element_type=jnp.float32)


def _sc_body(w_hbm, e_hbm, ids_hbm, zw_hbm, ze_hbm, outw_hbm, oute_hbm,
             ids_v, w_v, e_v, accw_s, acce_s, gsem, *,
             rows_per_worker, num_chunks):
  cid = lax.axis_index("c")
  sid = lax.axis_index("s")
  wid = sid * 2 + cid
  base = wid * rows_per_worker

  @pl.when(sid == 0)
  def _init():
    pltpu.sync_copy(zw_hbm, accw_s)
    pltpu.sync_copy(ze_hbm, acce_s)

  def gather(j, buf):
    start = base + j * CHUNK_ROWS
    pltpu.async_copy(w_hbm.at[pl.ds(start, CHUNK_ROWS)], w_v.at[buf], gsem)
    pltpu.async_copy(e_hbm.at[pl.ds(start, CHUNK_ROWS)], e_v.at[buf], gsem)

  def wait_gather(buf):
    pltpu.make_async_copy(
        w_hbm.at[pl.ds(0, CHUNK_ROWS)], w_v.at[buf], gsem).wait()
    pltpu.make_async_copy(
        e_hbm.at[pl.ds(0, CHUNK_ROWS)], e_v.at[buf], gsem).wait()

  pltpu.sync_copy(ids_hbm.at[wid], ids_v)
  gather(0, 0)
  plsc.subcore_barrier()

  def chunk(j, carry):
    buf = lax.rem(j, 2)
    wait_gather(buf)
    @pl.when(j + 1 < num_chunks)
    def _prefetch():
      gather(j + 1, 1 - buf)
    idx = ids_v.at[j]
    pltpu.sync_copy(w_v.at[buf], accw_s.at[idx], add=True)
    pltpu.sync_copy(e_v.at[buf], acce_s.at[idx], add=True)
    return carry

  lax.fori_loop(0, num_chunks, chunk, 0)
  plsc.subcore_barrier()

  @pl.when(sid == 0)
  def _flush():
    pltpu.sync_copy(accw_s, outw_hbm.at[cid])
    pltpu.sync_copy(acce_s, oute_hbm.at[cid])


def _norm_body(*refs):
  out_ref = refs[-1]
  k = (len(refs) - 1) // 2
  w = refs[0][...]
  for r in refs[1:k]:
    w = w + r[...]
  e = refs[k][...]
  for r in refs[k + 1:-1]:
    e = e + r[...]
  s_wide = _head_expand(e, w.shape[0])
  out_ref[...] = w / (s_wide + 1e-8)


def _dense_call(x_s, wc, qk_b_wide, vb2, tag):
  n = x_s.shape[0]
  num_blocks = n // ROWS_PER_BLOCK
  assert num_blocks * ROWS_PER_BLOCK == n

  return pl.pallas_call(
      _dense_body,
      grid=(num_blocks,),
      in_specs=[
          pl.BlockSpec((ROWS_PER_BLOCK, DIM), lambda i: (i, 0)),
          pl.BlockSpec((DIM, 2 * DIM), lambda i: (0, 0)),
          pl.BlockSpec((1, DIM), lambda i: (0, 0)),
          pl.BlockSpec((1, DIM), lambda i: (0, 0)),
      ],
      out_specs=[
          pl.BlockSpec((ROWS_PER_BLOCK, DIM), lambda i: (i, 0)),
          pl.BlockSpec((ROWS_PER_BLOCK, EPAD), lambda i: (i, 0)),
      ],
      out_shape=[
          jax.ShapeDtypeStruct((n, DIM), jnp.float32),
          jax.ShapeDtypeStruct((n, EPAD), jnp.float32),
      ],
      compiler_params=pltpu.CompilerParams(
          dimension_semantics=("parallel",)),
      name="dense_" + tag,
  )(x_s, wc, qk_b_wide, vb2)


def _sc_call(w_arr, e_arr, ids_s, zeros_w, zeros_e, tag):
  n = w_arr.shape[0]
  rows_per_worker = n // NUM_WORKERS
  num_chunks = rows_per_worker // CHUNK_ROWS
  assert num_chunks * CHUNK_ROWS == rows_per_worker

  sc_kernel = pl.kernel(
      functools.partial(_sc_body, rows_per_worker=rows_per_worker,
                        num_chunks=num_chunks),
      out_type=(
          jax.ShapeDtypeStruct((2, B_SEG, DIM), jnp.float32),
          jax.ShapeDtypeStruct((2, B_SEG, EPAD), jnp.float32),
      ),
      mesh=plsc.VectorSubcoreMesh(core_axis_name="c", subcore_axis_name="s"),
      scratch_types=[
          pltpu.VMEM((num_chunks, CHUNK_ROWS), jnp.int32),
          pltpu.VMEM((2, CHUNK_ROWS, DIM), jnp.float32),
          pltpu.VMEM((2, CHUNK_ROWS, EPAD), jnp.float32),
          pltpu.VMEM_SHARED((B_SEG, DIM), jnp.float32),
          pltpu.VMEM_SHARED((B_SEG, EPAD), jnp.float32),
          pltpu.SemaphoreType.DMA,
      ],
      name="segsum_" + tag,
  )
  return sc_kernel(w_arr, e_arr, ids_s, zeros_w, zeros_e)


def kernel(x, batch, query, key_w, key_b, value_w, value_b):
  n, dim = x.shape
  assert dim == DIM
  assert sum(SLICES) == n

  batch = batch.astype(jnp.int32)

  q_full = (query.reshape(NUM_HEADS, 1, HEAD_DIM)
            * jnp.eye(NUM_HEADS, dtype=x.dtype).reshape(NUM_HEADS, NUM_HEADS, 1)
            ).reshape(NUM_HEADS, DIM)
  qk_w = SCALE * (q_full @ key_w)
  qk_b = SCALE * (q_full @ key_b)
  vb2 = value_b.reshape(1, DIM)
  qk_w_wide = jnp.repeat(qk_w, HEAD_DIM, axis=0).T
  qk_b_wide = jnp.repeat(qk_b, HEAD_DIM).reshape(1, DIM)
  wc = jnp.concatenate([value_w.T, qk_w_wide], axis=1)

  zeros_w = jnp.zeros((B_SEG, DIM), jnp.float32)
  zeros_e = jnp.zeros((B_SEG, EPAD), jnp.float32)

  accw_parts = []
  acce_parts = []
  off = 0
  for i, ns in enumerate(SLICES):
    x_s = lax.slice_in_dim(x, off, off + ns, axis=0)
    ids_s = lax.slice_in_dim(batch, off, off + ns, axis=0).reshape(
        NUM_WORKERS, ns // NUM_WORKERS // CHUNK_ROWS, CHUNK_ROWS)
    w_s, e_s = _dense_call(x_s, wc, qk_b_wide, vb2, str(i))
    accw, acce = _sc_call(w_s, e_s, ids_s, zeros_w, zeros_e, str(i))
    accw_parts += [accw[0], accw[1]]
    acce_parts += [acce[0], acce[1]]
    off += ns

  pooled = pl.pallas_call(
      _norm_body,
      out_shape=jax.ShapeDtypeStruct((B_SEG, DIM), jnp.float32),
  )(*accw_parts, *acce_parts)
  return pooled

# --- scband reference (transcript-rebuilt; emitter-appended) ---
"""Pipeline reference for scband-attention-pooling-2826088481344 (READ-ONLY COPY).

The authoritative reference and input builder live on the scoring server;
editing this copy changes nothing except your own understanding.
"""

import jax, jax.numpy as jnp
import numpy as np

DIM = 128
NUM_HEADS = 4
HEAD_DIM = DIM // NUM_HEADS
SCALE = HEAD_DIM ** (-0.5)
N = 320000
B_MAX = 1024


def setup_inputs(seed: int = 0) -> dict:
    key = jax.random.key(seed)
    k1, k2, k3, k4, k5, k6, k7 = jax.random.split(key, 7)
    x = jax.random.normal(k1, (N, DIM), dtype=jnp.float32)
    batch = jnp.sort(jax.random.randint(k2, (N,), 0, B_MAX, dtype=jnp.int64))
    query = jax.random.normal(k3, (NUM_HEADS, HEAD_DIM), dtype=jnp.float32)
    key_w = jax.random.normal(k4, (DIM, DIM), dtype=jnp.float32) * (DIM ** -0.5)
    key_b = jnp.zeros((DIM,), dtype=jnp.float32)
    value_w = jax.random.normal(k5, (DIM, DIM), dtype=jnp.float32) * (DIM ** -0.5)
    value_b = jnp.zeros((DIM,), dtype=jnp.float32)
    return {"x": x, "batch": batch, "query": query, "key_w": key_w, "key_b": key_b, "value_w": value_w, "value_b": value_b}


def reference(x, batch, query, key_w, key_b, value_w, value_b):
    B = B_MAX
    k = (x @ key_w.T + key_b).reshape(-1, NUM_HEADS, HEAD_DIM)
    v = (x @ value_w.T + value_b).reshape(-1, NUM_HEADS, HEAD_DIM)
    q = query[None, :, :]
    attn = jnp.sum(q * k, axis=-1) * SCALE
    attn = jnp.clip(attn, -20.0, 20.0)
    # Faithful to the original: scatter_mps_compatible with reduce='max' returns zeros
    attn_max_per_graph = jnp.zeros((B, NUM_HEADS), dtype=attn.dtype)
    attn_max = attn_max_per_graph[batch]
    attn_shifted = attn - attn_max
    attn_exp = jnp.exp(attn_shifted)
    attn_sum_per_graph = jax.ops.segment_sum(attn_exp, batch, num_segments=B)
    attn_sum = attn_sum_per_graph[batch]
    attn_norm = attn_exp / (attn_sum + 1e-08)
    weighted = attn_norm[:, :, None] * v
    pooled = jax.ops.segment_sum(weighted, batch, num_segments=B)
    return pooled.reshape(B, -1)

if __name__ == "__main__":
    import jax
    _d = setup_inputs()
    print(jax.jit(kernel)(*tuple(_d.values())))

</pallas_src>

<mosaic_0001>
#map = affine_map<(d0, d1) -> (0, 0)>
#map1 = affine_map<(d0, d1) -> (0, 0, 0)>
module attributes {stable_mosaic.version = 14 : i64} {
  func.func @segsum_0(%arg0: i32, %arg1: i32, %arg2: memref<320000x128xf32, #tpu.memory_space<hbm>>, %arg3: memref<320000x16xf32, #tpu.memory_space<hbm>>, %arg4: memref<32x125x80xi32, #tpu.memory_space<hbm>>, %arg5: memref<1024x128xf32, #tpu.memory_space<hbm>>, %arg6: memref<1024x16xf32, #tpu.memory_space<hbm>>, %arg7: memref<2x1024x128xf32, #tpu.memory_space<hbm>>, %arg8: memref<2x1024x16xf32, #tpu.memory_space<hbm>>, %arg9: memref<125x80xi32, #tpu.memory_space<vmem>>, %arg10: memref<2x80x128xf32, #tpu.memory_space<vmem>>, %arg11: memref<2x80x16xf32, #tpu.memory_space<vmem>>, %arg12: memref<1024x128xf32, #tpu.memory_space<vmem_shared>>, %arg13: memref<1024x16xf32, #tpu.memory_space<vmem_shared>>, %arg14: memref<!tpu.dma_semaphore, #tpu.memory_space<semaphore_mem>>) attributes {dimension_semantics = [#tpu.dimension_semantics<core_parallel>, #tpu.dimension_semantics<subcore_parallel>], iteration_bounds = array<i64: 2, 16>, scalar_prefetch = 0 : i64, scratch_operands = 6 : i64, tpu.core_type = #tpu.core_type<sc_vector_subcore>, window_params = [{transform_indices = #map}, {transform_indices = #map}, {transform_indices = #map1}, {transform_indices = #map}, {transform_indices = #map}, {transform_indices = #map1}, {transform_indices = #map1}]} {
    %mul3A = arith.constant 2 : i32
    %mul3A_0 = arith.muli %arg1, %mul3A : i32
    %add3A = arith.addi %mul3A_0, %arg0 : i32
    %mul3A_1 = arith.constant 10000 : i32
    %mul3A_2 = arith.muli %add3A, %mul3A_1 : i32
    %eq3A = arith.constant 0 : i32
    %eq3A_3 = arith.cmpi eq, %arg1, %eq3A : i32
    %convert_element_type3A = arith.extui %eq3A_3 : i1 to i32
    %cond3A = arith.constant 0 : i32
    %cond3A_4 = arith.cmpi ne, %convert_element_type3A, %cond3A : i32
    scf.if %cond3A_4 {
      "tpu.region"() ({
        %run_scoped3A = tpu.sem_alloc : memref<!tpu.dma_semaphore, #tpu.memory_space<semaphore_mem>>
        tpu.enqueue_dma source(%arg5 : memref<1024x128xf32, #tpu.memory_space<hbm>>) target(%arg12 : memref<1024x128xf32, #tpu.memory_space<vmem_shared>>) target_semaphore(%run_scoped3A : memref<!tpu.dma_semaphore, #tpu.memory_space<semaphore_mem>>)
        tpu.wait_dma2 semaphore(%run_scoped3A : memref<!tpu.dma_semaphore, #tpu.memory_space<semaphore_mem>>) src(%arg5 : memref<1024x128xf32, #tpu.memory_space<hbm>>) dst(%arg12 : memref<1024x128xf32, #tpu.memory_space<vmem_shared>>)
        tpu.yield
      }) : () -> ()
      "tpu.region"() ({
        %run_scoped3A = tpu.sem_alloc : memref<!tpu.dma_semaphore, #tpu.memory_space<semaphore_mem>>
        tpu.enqueue_dma source(%arg6 : memref<1024x16xf32, #tpu.memory_space<hbm>>) target(%arg13 : memref<1024x16xf32, #tpu.memory_space<vmem_shared>>) target_semaphore(%run_scoped3A : memref<!tpu.dma_semaphore, #tpu.memory_space<semaphore_mem>>)
        tpu.wait_dma2 semaphore(%run_scoped3A : memref<!tpu.dma_semaphore, #tpu.memory_space<semaphore_mem>>) src(%arg6 : memref<1024x16xf32, #tpu.memory_space<hbm>>) dst(%arg13 : memref<1024x16xf32, #tpu.memory_space<vmem_shared>>)
        tpu.yield
      }) : () -> ()
    } else {
    }
    "tpu.region"() ({
      %run_scoped3A = tpu.sem_alloc : memref<!tpu.dma_semaphore, #tpu.memory_space<semaphore_mem>>
      %dma_start3A_43 = arith.constant 0 : i32
      %dma_start3A_44 = arith.constant 0 : i32
      %dma_start3A_45 = tpu.memref_slice %arg4[%add3A, %dma_start3A_43, %dma_start3A_44] : memref<32x125x80xi32, #tpu.memory_space<hbm>> -> memref<1x125x80xi32, #tpu.memory_space<hbm>>
      %dma_start3A_46 = tpu.memref_squeeze %dma_start3A_45 : memref<1x125x80xi32, #tpu.memory_space<hbm>> -> memref<125x80xi32, #tpu.memory_space<hbm>>
      %dma_start3A_47 = arith.constant 0 : i32
      %dma_start3A_48 = arith.constant 0 : i32
      %dma_start3A_49 = tpu.memref_slice %arg4[%add3A, %dma_start3A_47, %dma_start3A_48] : memref<32x125x80xi32, #tpu.memory_space<hbm>> -> memref<1x125x80xi32, #tpu.memory_space<hbm>>
      %dma_start3A_50 = tpu.memref_squeeze %dma_start3A_49 : memref<1x125x80xi32, #tpu.memory_space<hbm>> -> memref<125x80xi32, #tpu.memory_space<hbm>>
      tpu.enqueue_dma source(%dma_start3A_50 : memref<125x80xi32, #tpu.memory_space<hbm>>) target(%arg9 : memref<125x80xi32, #tpu.memory_space<vmem>>) target_semaphore(%run_scoped3A : memref<!tpu.dma_semaphore, #tpu.memory_space<semaphore_mem>>)
      %dma_wait3A = arith.constant 0 : i32
      %dma_wait3A_51 = arith.constant 0 : i32
      %dma_wait3A_52 = tpu.memref_slice %arg4[%add3A, %dma_wait3A, %dma_wait3A_51] : memref<32x125x80xi32, #tpu.memory_space<hbm>> -> memref<1x125x80xi32, #tpu.memory_space<hbm>>
      %dma_wait3A_53 = tpu.memref_squeeze %dma_wait3A_52 : memref<1x125x80xi32, #tpu.memory_space<hbm>> -> memref<125x80xi32, #tpu.memory_space<hbm>>
      %dma_wait3A_54 = arith.constant 0 : i32
      %dma_wait3A_55 = arith.constant 0 : i32
      %dma_wait3A_56 = tpu.memref_slice %arg4[%add3A, %dma_wait3A_54, %dma_wait3A_55] : memref<32x125x80xi32, #tpu.memory_space<hbm>> -> memref<1x125x80xi32, #tpu.memory_space<hbm>>
      %dma_wait3A_57 = tpu.memref_squeeze %dma_wait3A_56 : memref<1x125x80xi32, #tpu.memory_space<hbm>> -> memref<125x80xi32, #tpu.memory_space<hbm>>
      tpu.wait_dma2 semaphore(%run_scoped3A : memref<!tpu.dma_semaphore, #tpu.memory_space<semaphore_mem>>) src(%dma_wait3A_57 : memref<125x80xi32, #tpu.memory_space<hbm>>) dst(%arg9 : memref<125x80xi32, #tpu.memory_space<vmem>>)
      tpu.yield
    }) : () -> ()
    %add3A_5 = arith.constant 0 : i32
    %add3A_6 = arith.addi %mul3A_2, %add3A_5 : i32
    %dma_start3A = arith.constant 0 : i32
    %dma_start3A_7 = arith.constant 0 : i32
    %dma_start3A_8 = arith.constant 0 : i32
    %dma_start3A_9 = tpu.memref_slice %arg10[%dma_start3A, %dma_start3A_7, %dma_start3A_8] : memref<2x80x128xf32, #tpu.memory_space<vmem>> -> memref<1x80x128xf32, #tpu.memory_space<vmem>>
    %dma_start3A_10 = tpu.memref_squeeze %dma_start3A_9 : memref<1x80x128xf32, #tpu.memory_space<vmem>> -> memref<80x128xf32, #tpu.memory_space<vmem>>
    %dma_start3A_11 = arith.constant 0 : i32
    %dma_start3A_12 = tpu.memref_slice %arg2[%add3A_6, %dma_start3A_11] : memref<320000x128xf32, #tpu.memory_space<hbm>> -> memref<80x128xf32, #tpu.memory_space<hbm>>
    %dma_start3A_13 = arith.constant 0 : i32
    %dma_start3A_14 = arith.constant 0 : i32
    %dma_start3A_15 = tpu.memref_slice %arg10[%dma_start3A, %dma_start3A_13, %dma_start3A_14] : memref<2x80x128xf32, #tpu.memory_space<vmem>> -> memref<1x80x128xf32, #tpu.memory_space<vmem>>
    %dma_start3A_16 = tpu.memref_squeeze %dma_start3A_15 : memref<1x80x128xf32, #tpu.memory_space<vmem>> -> memref<80x128xf32, #tpu.memory_space<vmem>>
    %dma_start3A_17 = arith.constant 0 : i32
    %dma_start3A_18 = tpu.memref_slice %arg2[%add3A_6, %dma_start3A_17] : memref<320000x128xf32, #tpu.memory_space<hbm>> -> memref<80x128xf32, #tpu.memory_space<hbm>>
    tpu.enqueue_dma source(%dma_start3A_18 : memref<80x128xf32, #tpu.memory_space<hbm>>) target(%dma_start3A_16 : memref<80x128xf32, #tpu.memory_space<vmem>>) target_semaphore(%arg14 : memref<!tpu.dma_semaphore, #tpu.memory_space<semaphore_mem>>)
    %dma_start3A_19 = arith.constant 0 : i32
    %dma_start3A_20 = arith.constant 0 : i32
    %dma_start3A_21 = arith.constant 0 : i32
    %dma_start3A_22 = tpu.memref_slice %arg11[%dma_start3A_19, %dma_start3A_20, %dma_start3A_21] : memref<2x80x16xf32, #tpu.memory_space<vmem>> -> memref<1x80x16xf32, #tpu.memory_space<vmem>>
    %dma_start3A_23 = tpu.memref_squeeze %dma_start3A_22 : memref<1x80x16xf32, #tpu.memory_space<vmem>> -> memref<80x16xf32, #tpu.memory_space<vmem>>
    %dma_start3A_24 = arith.constant 0 : i32
    %dma_start3A_25 = tpu.memref_slice %arg3[%add3A_6, %dma_start3A_24] : memref<320000x16xf32, #tpu.memory_space<hbm>> -> memref<80x16xf32, #tpu.memory_space<hbm>>
    %dma_start3A_26 = arith.constant 0 : i32
    %dma_start3A_27 = arith.constant 0 : i32
    %dma_start3A_28 = tpu.memref_slice %arg11[%dma_start3A_19, %dma_start3A_26, %dma_start3A_27] : memref<2x80x16xf32, #tpu.memory_space<vmem>> -> memref<1x80x16xf32, #tpu.memory_space<vmem>>
    %dma_start3A_29 = tpu.memref_squeeze %dma_start3A_28 : memref<1x80x16xf32, #tpu.memory_space<vmem>> -> memref<80x16xf32, #tpu.memory_space<vmem>>
    %dma_start3A_30 = arith.constant 0 : i32
    %dma_start3A_31 = tpu.memref_slice %arg3[%add3A_6, %dma_start3A_30] : memref<320000x16xf32, #tpu.memory_space<hbm>> -> memref<80x16xf32, #tpu.memory_space<hbm>>
    tpu.enqueue_dma source(%dma_start3A_31 : memref<80x16xf32, #tpu.memory_space<hbm>>) target(%dma_start3A_29 : memref<80x16xf32, #tpu.memory_space<vmem>>) target_semaphore(%arg14 : memref<!tpu.dma_semaphore, #tpu.memory_space<semaphore_mem>>)
    %barrier3A = arith.constant 0 : index
    tpu.barrier barrier_id(%barrier3A)
    %scan3A = arith.constant 0 : i32
    %scan3A_32 = arith.constant 0 : i32
    %scan3A_33 = arith.constant 125 : i32
    %scan3A_34 = arith.addi %scan3A_32, %scan3A_33 : i32
    %scan3A_35 = arith.constant 1 : i32
    scf.for %scan3A_43 = %scan3A_32 to %scan3A_34 step %scan3A_35  : i32 {
      %rem3A = arith.constant 2 : i32
      %rem3A_44 = arith.remsi %scan3A_43, %rem3A : i32
      %dma_wait3A = arith.constant 0 : i32
      %dma_wait3A_45 = arith.constant 0 : i32
      %dma_wait3A_46 = tpu.memref_slice %arg10[%rem3A_44, %dma_wait3A, %dma_wait3A_45] : memref<2x80x128xf32, #tpu.memory_space<vmem>> -> memref<1x80x128xf32, #tpu.memory_space<vmem>>
      %dma_wait3A_47 = tpu.memref_squeeze %dma_wait3A_46 : memref<1x80x128xf32, #tpu.memory_space<vmem>> -> memref<80x128xf32, #tpu.memory_space<vmem>>
      %dma_wait3A_48 = arith.constant 0 : i32
      %dma_wait3A_49 = arith.constant 0 : i32
      %dma_wait3A_50 = tpu.memref_slice %arg2[%dma_wait3A_48, %dma_wait3A_49] : memref<320000x128xf32, #tpu.memory_space<hbm>> -> memref<80x128xf32, #tpu.memory_space<hbm>>
      %dma_wait3A_51 = arith.constant 0 : i32
      %dma_wait3A_52 = arith.constant 0 : i32
      %dma_wait3A_53 = tpu.memref_slice %arg10[%rem3A_44, %dma_wait3A_51, %dma_wait3A_52] : memref<2x80x128xf32, #tpu.memory_space<vmem>> -> memref<1x80x128xf32, #tpu.memory_space<vmem>>
      %dma_wait3A_54 = tpu.memref_squeeze %dma_wait3A_53 : memref<1x80x128xf32, #tpu.memory_space<vmem>> -> memref<80x128xf32, #tpu.memory_space<vmem>>
      %dma_wait3A_55 = arith.constant 0 : i32
      %dma_wait3A_56 = arith.constant 0 : i32
      %dma_wait3A_57 = tpu.memref_slice %arg2[%dma_wait3A_55, %dma_wait3A_56] : memref<320000x128xf32, #tpu.memory_space<hbm>> -> memref<80x128xf32, #tpu.memory_space<hbm>>
      tpu.wait_dma2 semaphore(%arg14 : memref<!tpu.dma_semaphore, #tpu.memory_space<semaphore_mem>>) src(%dma_wait3A_57 : memref<80x128xf32, #tpu.memory_space<hbm>>) dst(%dma_wait3A_54 : memref<80x128xf32, #tpu.memory_space<vmem>>)
      %dma_wait3A_58 = arith.constant 0 : i32
      %dma_wait3A_59 = arith.constant 0 : i32
      %dma_wait3A_60 = tpu.memref_slice %arg11[%rem3A_44, %dma_wait3A_58, %dma_wait3A_59] : memref<2x80x16xf32, #tpu.memory_space<vmem>> -> memref<1x80x16xf32, #tpu.memory_space<vmem>>
      %dma_wait3A_61 = tpu.memref_squeeze %dma_wait3A_60 : memref<1x80x16xf32, #tpu.memory_space<vmem>> -> memref<80x16xf32, #tpu.memory_space<vmem>>
      %dma_wait3A_62 = arith.constant 0 : i32
      %dma_wait3A_63 = arith.constant 0 : i32
      %dma_wait3A_64 = tpu.memref_slice %arg3[%dma_wait3A_62, %dma_wait3A_63] : memref<320000x16xf32, #tpu.memory_space<hbm>> -> memref<80x16xf32, #tpu.memory_space<hbm>>
      %dma_wait3A_65 = arith.constant 0 : i32
      %dma_wait3A_66 = arith.constant 0 : i32
      %dma_wait3A_67 = tpu.memref_slice %arg11[%rem3A_44, %dma_wait3A_65, %dma_wait3A_66] : memref<2x80x16xf32, #tpu.memory_space<vmem>> -> memref<1x80x16xf32, #tpu.memory_space<vmem>>
      %dma_wait3A_68 = tpu.memref_squeeze %dma_wait3A_67 : memref<1x80x16xf32, #tpu.memory_space<vmem>> -> memref<80x16xf32, #tpu.memory_space<vmem>>
      %dma_wait3A_69 = arith.constant 0 : i32
      %dma_wait3A_70 = arith.constant 0 : i32
      %dma_wait3A_71 = tpu.memref_slice %arg3[%dma_wait3A_69, %dma_wait3A_70] : memref<320000x16xf32, #tpu.memory_space<hbm>> -> memref<80x16xf32, #tpu.memory_space<hbm>>
      tpu.wait_dma2 semaphore(%arg14 : memref<!tpu.dma_semaphore, #tpu.memory_space<semaphore_mem>>) src(%dma_wait3A_71 : memref<80x16xf32, #tpu.memory_space<hbm>>) dst(%dma_wait3A_68 : memref<80x16xf32, #tpu.memory_space<vmem>>)
      %add3A_72 = arith.constant 1 : i32
      %add3A_73 = arith.addi %scan3A_43, %add3A_72 : i32
      %lt3A = arith.constant 125 : i32
      %lt3A_74 = arith.cmpi slt, %add3A_73, %lt3A : i32
      %convert_element_type3A_75 = arith.extui %lt3A_74 : i1 to i32
      %cond3A_76 = arith.constant 0 : i32
      %cond3A_77 = arith.cmpi ne, %convert_element_type3A_75, %cond3A_76 : i32
      scf.if %cond3A_77 {
        %add3A_78 = arith.constant 1 : i32
        %add3A_79 = arith.addi %scan3A_43, %add3A_78 : i32
        %sub3A = arith.constant 1 : i32
        %sub3A_80 = arith.subi %sub3A, %rem3A_44 : i32
        %mul3A_81 = arith.constant 80 : i32
        %mul3A_82 = arith.muli %add3A_79, %mul3A_81 : i32
        %add3A_83 = arith.addi %mul3A_2, %mul3A_82 : i32
        %dma_start3A_84 = arith.constant 0 : i32
        %dma_start3A_85 = arith.constant 0 : i32
        %dma_start3A_86 = tpu.memref_slice %arg10[%sub3A_80, %dma_start3A_84, %dma_start3A_85] : memref<2x80x128xf32, #tpu.memory_space<vmem>> -> memref<1x80x128xf32, #tpu.memory_space<vmem>>
        %dma_start3A_87 = tpu.memref_squeeze %dma_start3A_86 : memref<1x80x128xf32, #tpu.memory_space<vmem>> -> memref<80x128xf32, #tpu.memory_space<vmem>>
        %dma_start3A_88 = arith.constant 0 : i32
        %dma_start3A_89 = tpu.memref_slice %arg2[%add3A_83, %dma_start3A_88] : memref<320000x128xf32, #tpu.memory_space<hbm>> -> memref<80x128xf32, #tpu.memory_space<hbm>>
        %dma_start3A_90 = arith.constant 0 : i32
        %dma_start3A_91 = arith.constant 0 : i32
        %dma_start3A_92 = tpu.memref_slice %arg10[%sub3A_80, %dma_start3A_90, %dma_start3A_91] : memref<2x80x128xf32, #tpu.memory_space<vmem>> -> memref<1x80x128xf32, #tpu.memory_space<vmem>>
        %dma_start3A_93 = tpu.memref_squeeze %dma_start3A_92 : memref<1x80x128xf32, #tpu.memory_space<vmem>> -> memref<80x128xf32, #tpu.memory_space<vmem>>
        %dma_start3A_94 = arith.constant 0 : i32
        %dma_start3A_95 = tpu.memref_slice %arg2[%add3A_83, %dma_start3A_94] : memref<320000x128xf32, #tpu.memory_space<hbm>> -> memref<80x128xf32, #tpu.memory_space<hbm>>
        tpu.enqueue_dma source(%dma_start3A_95 : memref<80x128xf32, #tpu.memory_space<hbm>>) target(%dma_start3A_93 : memref<80x128xf32, #tpu.memory_space<vmem>>) target_semaphore(%arg14 : memref<!tpu.dma_semaphore, #tpu.memory_space<semaphore_mem>>)
        %dma_start3A_96 = arith.constant 0 : i32
        %dma_start3A_97 = arith.constant 0 : i32
        %dma_start3A_98 = tpu.memref_slice %arg11[%sub3A_80, %dma_start3A_96, %dma_start3A_97] : memref<2x80x16xf32, #tpu.memory_space<vmem>> -> memref<1x80x16xf32, #tpu.memory_space<vmem>>
        %dma_start3A_99 = tpu.memref_squeeze %dma_start3A_98 : memref<1x80x16xf32, #tpu.memory_space<vmem>> -> memref<80x16xf32, #tpu.memory_space<vmem>>
        %dma_start3A_100 = arith.constant 0 : i32
        %dma_start3A_101 = tpu.memref_slice %arg3[%add3A_83, %dma_start3A_100] : memref<320000x16xf32, #tpu.memory_space<hbm>> -> memref<80x16xf32, #tpu.memory_space<hbm>>
        %dma_start3A_102 = arith.constant 0 : i32
        %dma_start3A_103 = arith.constant 0 : i32
        %dma_start3A_104 = tpu.memref_slice %arg11[%sub3A_80, %dma_start3A_102, %dma_start3A_103] : memref<2x80x16xf32, #tpu.memory_space<vmem>> -> memref<1x80x16xf32, #tpu.memory_space<vmem>>
        %dma_start3A_105 = tpu.memref_squeeze %dma_start3A_104 : memref<1x80x16xf32, #tpu.memory_space<vmem>> -> memref<80x16xf32, #tpu.memory_space<vmem>>
        %dma_start3A_106 = arith.constant 0 : i32
        %dma_start3A_107 = tpu.memref_slice %arg3[%add3A_83, %dma_start3A_106] : memref<320000x16xf32, #tpu.memory_space<hbm>> -> memref<80x16xf32, #tpu.memory_space<hbm>>
        tpu.enqueue_dma source(%dma_start3A_107 : memref<80x16xf32, #tpu.memory_space<hbm>>) target(%dma_start3A_105 : memref<80x16xf32, #tpu.memory_space<vmem>>) target_semaphore(%arg14 : memref<!tpu.dma_semaphore, #tpu.memory_space<semaphore_mem>>)
      } else {
      }
      "tpu.region"() ({
        %run_scoped3A = tpu.sem_alloc : memref<!tpu.dma_semaphore, #tpu.memory_space<semaphore_mem>>
        %dma_start3A_78 = arith.constant 0 : i32
        %dma_start3A_79 = arith.constant 0 : i32
        %dma_start3A_80 = tpu.memref_slice %arg10[%rem3A_44, %dma_start3A_78, %dma_start3A_79] : memref<2x80x128xf32, #tpu.memory_space<vmem>> -> memref<1x80x128xf32, #tpu.memory_space<vmem>>
        %dma_start3A_81 = tpu.memref_squeeze %dma_start3A_80 : memref<1x80x128xf32, #tpu.memory_space<vmem>> -> memref<80x128xf32, #tpu.memory_space<vmem>>
        %dma_start3A_82 = arith.constant 0 : i32
        %dma_start3A_83 = tpu.memref_slice %arg9[%scan3A_43, %dma_start3A_82] : memref<125x80xi32, #tpu.memory_space<vmem>> -> memref<1x80xi32, #tpu.memory_space<vmem>>
        %dma_start3A_84 = tpu.memref_squeeze %dma_start3A_83 : memref<1x80xi32, #tpu.memory_space<vmem>> -> memref<80xi32, #tpu.memory_space<vmem>>
        %dma_start3A_85 = arith.constant 0 : i32
        %dma_start3A_86 = arith.constant 0 : i32
        %dma_start3A_87 = tpu.memref_slice %arg12[%dma_start3A_85, %dma_start3A_86] : memref<1024x128xf32, #tpu.memory_space<vmem_shared>> -> memref<1024x128xf32, #tpu.memory_space<vmem_shared>>
        tpu.enqueue_indirect_dma source(%dma_start3A_81 : memref<80x128xf32, #tpu.memory_space<vmem>>) target(%dma_start3A_87 : memref<1024x128xf32, #tpu.memory_space<vmem_shared>>) offsets(%dma_start3A_84 : memref<80xi32, #tpu.memory_space<vmem>>) semaphore(%run_scoped3A : memref<!tpu.dma_semaphore, #tpu.memory_space<semaphore_mem>>) {add = true}
        %dma_wait3A_88 = arith.constant 0 : i32
        %dma_wait3A_89 = arith.constant 0 : i32
        %dma_wait3A_90 = tpu.memref_slice %arg10[%rem3A_44, %dma_wait3A_88, %dma_wait3A_89] : memref<2x80x128xf32, #tpu.memory_space<vmem>> -> memref<1x80x128xf32, #tpu.memory_space<vmem>>
        %dma_wait3A_91 = tpu.memref_squeeze %dma_wait3A_90 : memref<1x80x128xf32, #tpu.memory_space<vmem>> -> memref<80x128xf32, #tpu.memory_space<vmem>>
        %dma_wait3A_92 = arith.constant 0 : i32
        %dma_wait3A_93 = tpu.memref_slice %arg9[%scan3A_43, %dma_wait3A_92] : memref<125x80xi32, #tpu.memory_space<vmem>> -> memref<1x80xi32, #tpu.memory_space<vmem>>
        %dma_wait3A_94 = tpu.memref_squeeze %dma_wait3A_93 : memref<1x80xi32, #tpu.memory_space<vmem>> -> memref<80xi32, #tpu.memory_space<vmem>>
        %dma_wait3A_95 = arith.constant 0 : i32
        %dma_wait3A_96 = arith.constant 0 : i32
        %dma_wait3A_97 = tpu.memref_slice %arg12[%dma_wait3A_95, %dma_wait3A_96] : memref<1024x128xf32, #tpu.memory_space<vmem_shared>> -> memref<1024x128xf32, #tpu.memory_space<vmem_shared>>
        tpu.wait_indirect_dma semaphore(%run_scoped3A : memref<!tpu.dma_semaphore, #tpu.memory_space<semaphore_mem>>) src(%dma_wait3A_91 : memref<80x128xf32, #tpu.memory_space<vmem>>) dst(%dma_wait3A_97 : memref<1024x128xf32, #tpu.memory_space<vmem_shared>>)
        tpu.yield
      }) : () -> ()
      "tpu.region"() ({
        %run_scoped3A = tpu.sem_alloc : memref<!tpu.dma_semaphore, #tpu.memory_space<semaphore_mem>>
        %dma_start3A_78 = arith.constant 0 : i32
        %dma_start3A_79 = arith.constant 0 : i32
        %dma_start3A_80 = tpu.memref_slice %arg11[%rem3A_44, %dma_start3A_78, %dma_start3A_79] : memref<2x80x16xf32, #tpu.memory_space<vmem>> -> memref<1x80x16xf32, #tpu.memory_space<vmem>>
        %dma_start3A_81 = tpu.memref_squeeze %dma_start3A_80 : memref<1x80x16xf32, #tpu.memory_space<vmem>> -> memref<80x16xf32, #tpu.memory_space<vmem>>
        %dma_start3A_82 = arith.constant 0 : i32
        %dma_start3A_83 = tpu.memref_slice %arg9[%scan3A_43, %dma_start3A_82] : memref<125x80xi32, #tpu.memory_space<vmem>> -> memref<1x80xi32, #tpu.memory_space<vmem>>
        %dma_start3A_84 = tpu.memref_squeeze %dma_start3A_83 : memref<1x80xi32, #tpu.memory_space<vmem>> -> memref<80xi32, #tpu.memory_space<vmem>>
        %dma_start3A_85 = arith.constant 0 : i32
        %dma_start3A_86 = arith.constant 0 : i32
        %dma_start3A_87 = tpu.memref_slice %arg13[%dma_start3A_85, %dma_start3A_86] : memref<1024x16xf32, #tpu.memory_space<vmem_shared>> -> memref<1024x16xf32, #tpu.memory_space<vmem_shared>>
        tpu.enqueue_indirect_dma source(%dma_start3A_81 : memref<80x16xf32, #tpu.memory_space<vmem>>) target(%dma_start3A_87 : memref<1024x16xf32, #tpu.memory_space<vmem_shared>>) offsets(%dma_start3A_84 : memref<80xi32, #tpu.memory_space<vmem>>) semaphore(%run_scoped3A : memref<!tpu.dma_semaphore, #tpu.memory_space<semaphore_mem>>) {add = true}
        %dma_wait3A_88 = arith.constant 0 : i32
        %dma_wait3A_89 = arith.constant 0 : i32
        %dma_wait3A_90 = tpu.memref_slice %arg11[%rem3A_44, %dma_wait3A_88, %dma_wait3A_89] : memref<2x80x16xf32, #tpu.memory_space<vmem>> -> memref<1x80x16xf32, #tpu.memory_space<vmem>>
        %dma_wait3A_91 = tpu.memref_squeeze %dma_wait3A_90 : memref<1x80x16xf32, #tpu.memory_space<vmem>> -> memref<80x16xf32, #tpu.memory_space<vmem>>
        %dma_wait3A_92 = arith.constant 0 : i32
        %dma_wait3A_93 = tpu.memref_slice %arg9[%scan3A_43, %dma_wait3A_92] : memref<125x80xi32, #tpu.memory_space<vmem>> -> memref<1x80xi32, #tpu.memory_space<vmem>>
        %dma_wait3A_94 = tpu.memref_squeeze %dma_wait3A_93 : memref<1x80xi32, #tpu.memory_space<vmem>> -> memref<80xi32, #tpu.memory_space<vmem>>
        %dma_wait3A_95 = arith.constant 0 : i32
        %dma_wait3A_96 = arith.constant 0 : i32
        %dma_wait3A_97 = tpu.memref_slice %arg13[%dma_wait3A_95, %dma_wait3A_96] : memref<1024x16xf32, #tpu.memory_space<vmem_shared>> -> memref<1024x16xf32, #tpu.memory_space<vmem_shared>>
        tpu.wait_indirect_dma semaphore(%run_scoped3A : memref<!tpu.dma_semaphore, #tpu.memory_space<semaphore_mem>>) src(%dma_wait3A_91 : memref<80x16xf32, #tpu.memory_space<vmem>>) dst(%dma_wait3A_97 : memref<1024x16xf32, #tpu.memory_space<vmem_shared>>)
        tpu.yield
      }) : () -> ()
    }
    %scan3A_36 = arith.constant 125 : i32
    %barrier3A_37 = arith.constant 0 : index
    tpu.barrier barrier_id(%barrier3A_37)
    %eq3A_38 = arith.constant 0 : i32
    %eq3A_39 = arith.cmpi eq, %arg1, %eq3A_38 : i32
    %convert_element_type3A_40 = arith.extui %eq3A_39 : i1 to i32
    %cond3A_41 = arith.constant 0 : i32
    %cond3A_42 = arith.cmpi ne, %convert_element_type3A_40, %cond3A_41 : i32
    scf.if %cond3A_42 {
      "tpu.region"() ({
        %run_scoped3A = tpu.sem_alloc : memref<!tpu.dma_semaphore, #tpu.memory_space<semaphore_mem>>
        %dma_start3A_43 = arith.constant 0 : i32
        %dma_start3A_44 = arith.constant 0 : i32
        %dma_start3A_45 = tpu.memref_slice %arg7[%arg0, %dma_start3A_43, %dma_start3A_44] : memref<2x1024x128xf32, #tpu.memory_space<hbm>> -> memref<1x1024x128xf32, #tpu.memory_space<hbm>>
        %dma_start3A_46 = tpu.memref_squeeze %dma_start3A_45 : memref<1x1024x128xf32, #tpu.memory_space<hbm>> -> memref<1024x128xf32, #tpu.memory_space<hbm>>
        tpu.enqueue_dma source(%arg12 : memref<1024x128xf32, #tpu.memory_space<vmem_shared>>) target(%dma_start3A_46 : memref<1024x128xf32, #tpu.memory_space<hbm>>) target_semaphore(%run_scoped3A : memref<!tpu.dma_semaphore, #tpu.memory_space<semaphore_mem>>)
        %dma_wait3A = arith.constant 0 : i32
        %dma_wait3A_47 = arith.constant 0 : i32
        %dma_wait3A_48 = tpu.memref_slice %arg7[%arg0, %dma_wait3A, %dma_wait3A_47] : memref<2x1024x128xf32, #tpu.memory_space<hbm>> -> memref<1x1024x128xf32, #tpu.memory_space<hbm>>
        %dma_wait3A_49 = tpu.memref_squeeze %dma_wait3A_48 : memref<1x1024x128xf32, #tpu.memory_space<hbm>> -> memref<1024x128xf32, #tpu.memory_space<hbm>>
        tpu.wait_dma2 semaphore(%run_scoped3A : memref<!tpu.dma_semaphore, #tpu.memory_space<semaphore_mem>>) src(%arg12 : memref<1024x128xf32, #tpu.memory_space<vmem_shared>>) dst(%dma_wait3A_49 : memref<1024x128xf32, #tpu.memory_space<hbm>>)
        tpu.yield
      }) : () -> ()
      "tpu.region"() ({
        %run_scoped3A = tpu.sem_alloc : memref<!tpu.dma_semaphore, #tpu.memory_space<semaphore_mem>>
        %dma_start3A_43 = arith.constant 0 : i32
        %dma_start3A_44 = arith.constant 0 : i32
        %dma_start3A_45 = tpu.memref_slice %arg8[%arg0, %dma_start3A_43, %dma_start3A_44] : memref<2x1024x16xf32, #tpu.memory_space<hbm>> -> memref<1x1024x16xf32, #tpu.memory_space<hbm>>
        %dma_start3A_46 = tpu.memref_squeeze %dma_start3A_45 : memref<1x1024x16xf32, #tpu.memory_space<hbm>> -> memref<1024x16xf32, #tpu.memory_space<hbm>>
        tpu.enqueue_dma source(%arg13 : memref<1024x16xf32, #tpu.memory_space<vmem_shared>>) target(%dma_start3A_46 : memref<1024x16xf32, #tpu.memory_space<hbm>>) target_semaphore(%run_scoped3A : memref<!tpu.dma_semaphore, #tpu.memory_space<semaphore_mem>>)
        %dma_wait3A = arith.constant 0 : i32
        %dma_wait3A_47 = arith.constant 0 : i32
        %dma_wait3A_48 = tpu.memref_slice %arg8[%arg0, %dma_wait3A, %dma_wait3A_47] : memref<2x1024x16xf32, #tpu.memory_space<hbm>> -> memref<1x1024x16xf32, #tpu.memory_space<hbm>>
        %dma_wait3A_49 = tpu.memref_squeeze %dma_wait3A_48 : memref<1x1024x16xf32, #tpu.memory_space<hbm>> -> memref<1024x16xf32, #tpu.memory_space<hbm>>
        tpu.wait_dma2 semaphore(%run_scoped3A : memref<!tpu.dma_semaphore, #tpu.memory_space<semaphore_mem>>) src(%arg13 : memref<1024x16xf32, #tpu.memory_space<vmem_shared>>) dst(%dma_wait3A_49 : memref<1024x16xf32, #tpu.memory_space<hbm>>)
        tpu.yield
      }) : () -> ()
    } else {
    }
    return
  }
}

module attributes {stable_mosaic.version = 14 : i64} {
  func.func @dense_0(%arg0: i32, %arg1: memref<2000x128xf32, #tpu.memory_space<vmem>>, %arg2: memref<128x256xf32, #tpu.memory_space<vmem>>, %arg3: memref<1x128xf32, #tpu.memory_space<vmem>>, %arg4: memref<1x128xf32, #tpu.memory_space<vmem>>, %arg5: memref<2000x128xf32, #tpu.memory_space<vmem>>, %arg6: memref<2000x16xf32, #tpu.memory_space<vmem>>) attributes {dimension_semantics = [#tpu.dimension_semantics<parallel>], iteration_bounds = array<i64: 160>, scalar_prefetch = 0 : i64, scratch_operands = 0 : i64, tpu.core_type = #tpu.core_type<tc>, window_params = [{transform_indices = @transform_0, window_bounds = array<i64: 2000, 128>}, {pipeline_mode = #tpu.pipeline_mode<synchronous>, transform_indices = @transform_1, window_bounds = array<i64: 128, 256>}, {pipeline_mode = #tpu.pipeline_mode<synchronous>, transform_indices = @transform_2, window_bounds = array<i64: 1, 128>}, {pipeline_mode = #tpu.pipeline_mode<synchronous>, transform_indices = @transform_3, window_bounds = array<i64: 1, 128>}, {transform_indices = @transform_4, window_bounds = array<i64: 2000, 128>}, {transform_indices = @transform_5, window_bounds = array<i64: 2000, 16>}]} {
    %get3A = arith.constant 0 : index
    %get3A_0 = arith.constant 0 : index
    %get3A_1 = vector.load %arg1[%get3A, %get3A_0] : memref<2000x128xf32, #tpu.memory_space<vmem>>, vector<2000x128xf32>
    %get3A_2 = arith.constant 0 : index
    %get3A_3 = arith.constant 0 : index
    %get3A_4 = vector.load %arg2[%get3A_2, %get3A_3] : memref<128x256xf32, #tpu.memory_space<vmem>>, vector<128x256xf32>
    %dot_general3A = arith.constant dense<0.000000e+00> : vector<2000x256xf32>
    %dot_general3A_5 = tpu.matmul %get3A_1, %get3A_4, %dot_general3A {dimension_numbers = #tpu.dot_dimension_numbers<[1], [0], [0], [1], [0, 0, 1, 1], [], []>, transpose_lhs_hint = false} : vector<2000x128xf32>, vector<128x256xf32>, vector<2000x256xf32> -> vector<2000x256xf32>
    %slice3A = vector.extract_strided_slice %dot_general3A_5 {offsets = [0, 0], sizes = [2000, 128], strides = [1, 1]} : vector<2000x256xf32> to vector<2000x128xf32>
    %get3A_6 = arith.constant 0 : index
    %get3A_7 = arith.constant 0 : index
    %get3A_8 = vector.load %arg4[%get3A_6, %get3A_7] : memref<1x128xf32, #tpu.memory_space<vmem>>, vector<1x128xf32>
    %add3A = vector.broadcast %get3A_8 : vector<1x128xf32> to vector<2000x128xf32>
    %add3A_9 = arith.addf %slice3A, %add3A : vector<2000x128xf32>
    %slice3A_10 = vector.extract_strided_slice %dot_general3A_5 {offsets = [0, 128], sizes = [2000, 128], strides = [1, 1]} : vector<2000x256xf32> to vector<2000x128xf32>
    %get3A_11 = arith.constant 0 : index
    %get3A_12 = arith.constant 0 : index
    %get3A_13 = vector.load %arg3[%get3A_11, %get3A_12] : memref<1x128xf32, #tpu.memory_space<vmem>>, vector<1x128xf32>
    %add3A_14 = vector.broadcast %get3A_13 : vector<1x128xf32> to vector<2000x128xf32>
    %add3A_15 = arith.addf %slice3A_10, %add3A_14 : vector<2000x128xf32>
    %jit3A = arith.constant -2.000000e+01 : f32
    %jit3A_16 = arith.constant 2.000000e+01 : f32
    %max3A = vector.broadcast %jit3A : f32 to vector<2000x128xf32>
    %max3A_17 = arith.maximumf %max3A, %add3A_15 : vector<2000x128xf32>
    %min3A = vector.broadcast %jit3A_16 : f32 to vector<2000x128xf32>
    %min3A_18 = arith.minimumf %min3A, %max3A_17 : vector<2000x128xf32>
    %exp3A = math.exp %min3A_18 : vector<2000x128xf32>
    %mul3A = arith.mulf %exp3A, %add3A_9 : vector<2000x128xf32>
    %swap3A = arith.constant 0 : index
    %swap3A_19 = arith.constant 0 : index
    %swap3A_20 = vector.load %arg5[%swap3A, %swap3A_19] : memref<2000x128xf32, #tpu.memory_space<vmem>>, vector<2000x128xf32>
    tpu.vector_store %arg5[%swap3A, %swap3A_19], %mul3A {strides = array<i32>} : memref<2000x128xf32, #tpu.memory_space<vmem>>, vector<2000x128xf32>,
    %iota3A = tpu.iota {dimensions = array<i32: 0>} : vector<128x16xi32>
    %iota3A_21 = tpu.iota {dimensions = array<i32: 1>} : vector<128x16xi32>
    %mul3A_22 = arith.constant 32 : i32
    %mul3A_23 = vector.broadcast %mul3A_22 : i32 to vector<128x16xi32>
    %mul3A_24 = arith.muli %mul3A_23, %iota3A_21 : vector<128x16xi32>
    %eq3A = arith.cmpi eq, %iota3A, %mul3A_24 : vector<128x16xi32>
    %convert_element_type3A = arith.extui %eq3A : vector<128x16xi1> to vector<128x16xi32>
    %convert_element_type3A_25 = arith.sitofp %convert_element_type3A : vector<128x16xi32> to vector<128x16xf32>
    %dot_general3A_26 = arith.constant dense<0.000000e+00> : vector<2000x16xf32>
    %dot_general3A_27 = tpu.matmul %exp3A, %convert_element_type3A_25, %dot_general3A_26 {dimension_numbers = #tpu.dot_dimension_numbers<[1], [0], [0], [1], [0, 0, 1, 1], [], []>, transpose_lhs_hint = false} : vector<2000x128xf32>, vector<128x16xf32>, vector<2000x16xf32> -> vector<2000x16xf32>
    %swap3A_28 = arith.constant 0 : index
    %swap3A_29 = arith.constant 0 : index
    %swap3A_30 = vector.load %arg6[%swap3A_28, %swap3A_29] : memref<2000x16xf32, #tpu.memory_space<vmem>>, vector<2000x16xf32>
    tpu.vector_store %arg6[%swap3A_28, %swap3A_29], %dot_general3A_27 {strides = array<i32>} : memref<2000x16xf32, #tpu.memory_space<vmem>>, vector<2000x16xf32>,
    return
  }
  func.func @transform_0(%arg0: i32) -> (i32, i32) {
    %c0_i32 = arith.constant 0 : i32
    %c0_i32_0 = arith.constant 0 : i32
    return %arg0, %c0_i32 : i32, i32
  }
  func.func @transform_1(%arg0: i32) -> (i32, i32) {
    %c0_i32 = arith.constant 0 : i32
    %c0_i32_0 = arith.constant 0 : i32
    %c0_i32_1 = arith.constant 0 : i32
    return %c0_i32, %c0_i32_0 : i32, i32
  }
  func.func @transform_2(%arg0: i32) -> (i32, i32) {
    %c0_i32 = arith.constant 0 : i32
    %c0_i32_0 = arith.constant 0 : i32
    %c0_i32_1 = arith.constant 0 : i32
    return %c0_i32, %c0_i32_0 : i32, i32
  }
  func.func @transform_3(%arg0: i32) -> (i32, i32) {
    %c0_i32 = arith.constant 0 : i32
    %c0_i32_0 = arith.constant 0 : i32
    %c0_i32_1 = arith.constant 0 : i32
    return %c0_i32, %c0_i32_0 : i32, i32
  }
  func.func @transform_4(%arg0: i32) -> (i32, i32) {
    %c0_i32 = arith.constant 0 : i32
    %c0_i32_0 = arith.constant 0 : i32
    return %arg0, %c0_i32 : i32, i32
  }
  func.func @transform_5(%arg0: i32) -> (i32, i32) {
    %c0_i32 = arith.constant 0 : i32
    %c0_i32_0 = arith.constant 0 : i32
    return %arg0, %c0_i32 : i32, i32
  }
}

module attributes {stable_mosaic.version = 14 : i64} {
  func.func @_norm_body(%arg0: memref<1024x128xf32, #tpu.memory_space<vmem>>, %arg1: memref<1024x128xf32, #tpu.memory_space<vmem>>, %arg2: memref<1024x16xf32, #tpu.memory_space<vmem>>, %arg3: memref<1024x16xf32, #tpu.memory_space<vmem>>, %arg4: memref<1024x128xf32, #tpu.memory_space<vmem>>) attributes {dimension_semantics = [], scalar_prefetch = 0 : i64, scratch_operands = 0 : i64, tpu.core_type = #tpu.core_type<tc>} {
    %get3A = arith.constant 0 : index
    %get3A_0 = arith.constant 0 : index
    %get3A_1 = vector.load %arg0[%get3A, %get3A_0] : memref<1024x128xf32, #tpu.memory_space<vmem>>, vector<1024x128xf32>
    %get3A_2 = arith.constant 0 : index
    %get3A_3 = arith.constant 0 : index
    %get3A_4 = vector.load %arg1[%get3A_2, %get3A_3] : memref<1024x128xf32, #tpu.memory_space<vmem>>, vector<1024x128xf32>
    %add3A = arith.addf %get3A_1, %get3A_4 : vector<1024x128xf32>
    %get3A_5 = arith.constant 0 : index
    %get3A_6 = arith.constant 0 : index
    %get3A_7 = vector.load %arg2[%get3A_5, %get3A_6] : memref<1024x16xf32, #tpu.memory_space<vmem>>, vector<1024x16xf32>
    %get3A_8 = arith.constant 0 : index
    %get3A_9 = arith.constant 0 : index
    %get3A_10 = vector.load %arg3[%get3A_8, %get3A_9] : memref<1024x16xf32, #tpu.memory_space<vmem>>, vector<1024x16xf32>
    %add3A_11 = arith.addf %get3A_7, %get3A_10 : vector<1024x16xf32>
    %iota3A = tpu.iota {dimensions = array<i32: 1>} : vector<1024x128xi32>
    %lt3A = arith.constant 32 : i32
    %lt3A_12 = vector.broadcast %lt3A : i32 to vector<1024x128xi32>
    %lt3A_13 = arith.cmpi slt, %iota3A, %lt3A_12 : vector<1024x128xi32>
    %slice3A = vector.extract_strided_slice %add3A_11 {offsets = [0, 0], sizes = [1024, 1], strides = [1, 1]} : vector<1024x16xf32> to vector<1024x1xf32>
    %jit3A = arith.constant 0.000000e+00 : f32
    %broadcast_in_dim3A = vector.shape_cast %slice3A : vector<1024x1xf32> to vector<1024x1xf32>
    %broadcast_in_dim3A_14 = vector.broadcast %broadcast_in_dim3A : vector<1024x1xf32> to vector<1024x128xf32>
    %broadcast_in_dim3A_15 = vector.broadcast %jit3A : f32 to vector<1024x128xf32>
    %select_n3A = arith.select %lt3A_13, %broadcast_in_dim3A_14, %broadcast_in_dim3A_15 : vector<1024x128xi1>, vector<1024x128xf32>
    %ge3A = arith.constant 32 : i32
    %ge3A_16 = vector.broadcast %ge3A : i32 to vector<1024x128xi32>
    %ge3A_17 = arith.cmpi sge, %iota3A, %ge3A_16 : vector<1024x128xi32>
    %lt3A_18 = arith.constant 64 : i32
    %lt3A_19 = vector.broadcast %lt3A_18 : i32 to vector<1024x128xi32>
    %lt3A_20 = arith.cmpi slt, %iota3A, %lt3A_19 : vector<1024x128xi32>
    %and3A = arith.andi %ge3A_17, %lt3A_20 : vector<1024x128xi1>
    %slice3A_21 = vector.extract_strided_slice %add3A_11 {offsets = [0, 1], sizes = [1024, 1], strides = [1, 1]} : vector<1024x16xf32> to vector<1024x1xf32>
    %jit3A_22 = arith.constant 0.000000e+00 : f32
    %broadcast_in_dim3A_23 = vector.shape_cast %slice3A_21 : vector<1024x1xf32> to vector<1024x1xf32>
    %broadcast_in_dim3A_24 = vector.broadcast %broadcast_in_dim3A_23 : vector<1024x1xf32> to vector<1024x128xf32>
    %broadcast_in_dim3A_25 = vector.broadcast %jit3A_22 : f32 to vector<1024x128xf32>
    %select_n3A_26 = arith.select %and3A, %broadcast_in_dim3A_24, %broadcast_in_dim3A_25 : vector<1024x128xi1>, vector<1024x128xf32>
    %add3A_27 = arith.addf %select_n3A, %select_n3A_26 : vector<1024x128xf32>
    %ge3A_28 = arith.constant 64 : i32
    %ge3A_29 = vector.broadcast %ge3A_28 : i32 to vector<1024x128xi32>
    %ge3A_30 = arith.cmpi sge, %iota3A, %ge3A_29 : vector<1024x128xi32>
    %lt3A_31 = arith.constant 96 : i32
    %lt3A_32 = vector.broadcast %lt3A_31 : i32 to vector<1024x128xi32>
    %lt3A_33 = arith.cmpi slt, %iota3A, %lt3A_32 : vector<1024x128xi32>
    %and3A_34 = arith.andi %ge3A_30, %lt3A_33 : vector<1024x128xi1>
    %slice3A_35 = vector.extract_strided_slice %add3A_11 {offsets = [0, 2], sizes = [1024, 1], strides = [1, 1]} : vector<1024x16xf32> to vector<1024x1xf32>
    %jit3A_36 = arith.constant 0.000000e+00 : f32
    %broadcast_in_dim3A_37 = vector.shape_cast %slice3A_35 : vector<1024x1xf32> to vector<1024x1xf32>
    %broadcast_in_dim3A_38 = vector.broadcast %broadcast_in_dim3A_37 : vector<1024x1xf32> to vector<1024x128xf32>
    %broadcast_in_dim3A_39 = vector.broadcast %jit3A_36 : f32 to vector<1024x128xf32>
    %select_n3A_40 = arith.select %and3A_34, %broadcast_in_dim3A_38, %broadcast_in_dim3A_39 : vector<1024x128xi1>, vector<1024x128xf32>
    %add3A_41 = arith.addf %add3A_27, %select_n3A_40 : vector<1024x128xf32>
    %ge3A_42 = arith.constant 96 : i32
    %ge3A_43 = vector.broadcast %ge3A_42 : i32 to vector<1024x128xi32>
    %ge3A_44 = arith.cmpi sge, %iota3A, %ge3A_43 : vector<1024x128xi32>
    %lt3A_45 = arith.constant 128 : i32
    %lt3A_46 = vector.broadcast %lt3A_45 : i32 to vector<1024x128xi32>
    %lt3A_47 = arith.cmpi slt, %iota3A, %lt3A_46 : vector<1024x128xi32>
    %and3A_48 = arith.andi %ge3A_44, %lt3A_47 : vector<1024x128xi1>
    %slice3A_49 = vector.extract_strided_slice %add3A_11 {offsets = [0, 3], sizes = [1024, 1], strides = [1, 1]} : vector<1024x16xf32> to vector<1024x1xf32>
    %jit3A_50 = arith.constant 0.000000e+00 : f32
    %broadcast_in_dim3A_51 = vector.shape_cast %slice3A_49 : vector<1024x1xf32> to vector<1024x1xf32>
    %broadcast_in_dim3A_52 = vector.broadcast %broadcast_in_dim3A_51 : vector<1024x1xf32> to vector<1024x128xf32>
    %broadcast_in_dim3A_53 = vector.broadcast %jit3A_50 : f32 to vector<1024x128xf32>
    %select_n3A_54 = arith.select %and3A_48, %broadcast_in_dim3A_52, %broadcast_in_dim3A_53 : vector<1024x128xi1>, vector<1024x128xf32>
    %add3A_55 = arith.addf %add3A_41, %select_n3A_54 : vector<1024x128xf32>
    %add3A_56 = arith.constant 9.99999993E-9 : f32
    %add3A_57 = vector.broadcast %add3A_56 : f32 to vector<1024x128xf32>
    %add3A_58 = arith.addf %add3A_55, %add3A_57 : vector<1024x128xf32>
    %div3A = arith.divf %add3A, %add3A_58 : vector<1024x128xf32>
    %swap3A = arith.constant 0 : index
    %swap3A_59 = arith.constant 0 : index
    %swap3A_60 = vector.load %arg4[%swap3A, %swap3A_59] : memref<1024x128xf32, #tpu.memory_space<vmem>>, vector<1024x128xf32>
    tpu.vector_store %arg4[%swap3A, %swap3A_59], %div3A {strides = array<i32>} : memref<1024x128xf32, #tpu.memory_space<vmem>>, vector<1024x128xf32>,
    return
  }
}

</mosaic_0001>

<sc_bundles>
// kernel: segsum_0.3.cloned.1.call-start
scs
__scs_entry_jumppad:
0x0: {  	(pc) =	sbr.rel $0x88, $3  }
0x1: {  	(tag) =	ssettag $0x0;
	lr =	simm.s32 $0x1  }
0x2: {  	[smem:$0x3F9A] =	sst lr;
	_ =	strace $0xD0000000  }
0x3: {  	_ = 	snop  }
0x4: {  	_ = 	snop  }
0x5: {  	_ = 	snop  }
0x6: {  	_ = 	snop  }
0x7: {  	_ = 	snop  }
__scs_overlays_trampoline_lowered:
0x8: {  	[smem:$0x3FA9] =	sst s0  }
0x9: {  	[smem:$0x3FAA] =	sst s1  }
0xa: {  	[smem:$0x3FAB] =	sst s2  }
0xb: {  	[smem:$0x3FAC] =	sst s3  }
0xc: {  	[smem:$0x3FAD] =	sst s4  }
0xd: {  	[smem:$0x3FAE] =	sst s5  }
0xe: {  	[smem:$0x3FAF] =	sst s6  }
0xf: {  	[smem:$0x3FB0] =	sst s7  }
0x10: {  	[smem:$0x3FB1] =	sst s8  }
0x11: {  	[smem:$0x3FB2] =	sst s9;
	s0 =	simm.s32 @!p0 $0x0  }
0x12: {  	s1 =	sld [smem:$0x3F98];
	s0 =	simm.s32 @p0 $0x1  }
0x13: {  	[smem:$0x3FB3] =	sst s0;
	s0 =	simm.s32 @!p1 $0x0  }
0x14: {  	s2 =	sld [smem:$0x3F97];
	s0 =	simm.s32 @p1 $0x1  }
0x15: {  	[smem:$0x3FB4] =	sst s0;
	s0 =	simm.s32 @!p2 $0x0  }
0x16: {  	s3 =	sld [smem:$0x3FDB];
	s0 =	simm.s32 @p2 $0x1  }
0x17: {  	s4 =	simm.s32 $0x1BF5;
	[smem:$0x3FB6] =	sst s0  }
0x18: {  	s0 =	sld [smem:$0x3F99];
	_ =	swait.ge [sflag:s4], $0x0  }
0x19: {  	s7 =	sld [smem:$0x3F9A]  }
0x1a: {  	s8 =	sadd.s32 $0xFFFFE003, lr  }
0x1b: {  	s9 =	sadd.s32 $0xFFFFFEF7, lr;
	s5 =	simm.s32 $0xFFFFFFFF;
	p2 =	slt.u32 s8, $0xFFFFF086  }
0x1c: {  	p1 =	slt.u32 s9, $0xF7A;
	s5 =	simm.s32 @!p2 $0x0  }
0x1d: {  	s5 =	simm.s32 @p1 $0x1;
	p0 =	seq.s32 s7, s2  }
0x1e: {  	s7 =	smul.u32 @!p0 $0xF7A, s2;
	p2 =	seq.s32 @!p0 s5, $0x0  }
0x1f: {  	s9 =	smul.u32 $0xF7A, s1;
	s8 =	simm.s32 @!p0 $0x1BF5;
	p2 =	por !p2, p0  }
0x20: {  	[sflag:s8] =	ssyncset.s32 @!p0 $0xFFFFF086;
	s6 =	sadd.s32 @!p0 s3, s7;
	s7 =	simm.s32 @!p0 $0x108  }
0x21: {  	s3 =	sadd.s32 s3, s9;
	s6 =	sadd.s32 @!p0 $0x88, s6;
	s7 =	simm.s32 @p2 $0x1082  }
0x22: {  	[simem:s7], [sflag:s8] =	dma.local @!p0 [hbm:s6], $0xF7A  }
0x23: {  	s9 =	sor.u32 $0xD0000000, s2;
	s6 =	simm.s32 $0x108;
	_ =	swait.ge @!p0 [sflag:s8], $0x0  }
0x24: {  	s3 =	sadd.s32 $0x88, s3;
	s6 =	simm.s32 @!p1 $0x1082;
	[sflag:s4] =	ssyncset.s32 $0xFFFFF086  }
0x25: {  	[simem:s6], [sflag:s4] =	dma.local [hbm:s3], $0xF7A  }
0x26: {  	[smem:$0x3F9A] =	sst s1;
	(tag) =	ssettag s2;
	_ =	strace s9  }
0x27: {  	s1 =	sld [smem:$0x3FAA]  }
0x28: {  	s2 =	sld [smem:$0x3FAB]  }
0x29: {  	s4 =	sld [smem:$0x3FAD]  }
0x2a: {  	p0 =	seq.s32 s5, $0x0;
	s5 =	sld [smem:$0x3FAE]  }
0x2b: {  	s6 =	sld [smem:$0x3FAF]  }
0x2c: {  	s7 =	sld [smem:$0x3FB0]  }
0x2d: {  	s3 =	simm.s32 $0x108;
	s8 =	sld [smem:$0x3FB1]  }
0x2e: {  	s3 =	simm.s32 @!p0 $0x1082;
	s9 =	sld [smem:$0x3FB2]  }
0x2f: {  	lr =	sadd.s32 s0, s3;
	s0 =	sld [smem:$0x3FA9]  }
0x30: {  	s3 =	sld [smem:$0x3FAC]  }
0x31: {  	[smem:$0x3FB5] =	sst s10  }
0x32: {  	s10 =	sld [smem:$0x3FB3];
	_ =	sdelay $0x3  }
0x33: {  	p0 =	seq.s32 s10, $0x1;
	s10 =	sld [smem:$0x3FB5];
	_ =	sdelay $0x3  }
0x34: {  	[smem:$0x3FB5] =	sst s10  }
0x35: {  	s10 =	sld [smem:$0x3FB4];
	_ =	sdelay $0x3  }
0x36: {  	p1 =	seq.s32 s10, $0x1;
	s10 =	sld [smem:$0x3FB5];
	_ =	sdelay $0x3  }
0x37: {  	[smem:$0x3FB5] =	sst s10  }
0x38: {  	s10 =	sld [smem:$0x3FB6]  }
0x39: {  	_ = 	snop;
	(pc) =	sbr.ind lr, $3  }
0x3a: {  	_ = 	snop  }
0x3b: {  	_ = 	snop  }
0x3c: {  	p2 =	seq.s32 s10, $0x1;
	s10 =	sld [smem:$0x3FB5]  }
0x3d: {  	_ =	shalt  }
0x3e: {  	_ =	shalt  }
0x3f: {  	_ =	shalt  }
0x40: {  	_ =	shalt  }
0x41: {  	_ =	shalt  }
0x42: {  	_ =	shalt  }
0x43: {  	_ =	shalt  }
0x44: {  	_ =	shalt  }
0x45: {  	_ =	shalt  }
0x46: {  	_ =	shalt  }
0x47: {  	_ =	shalt  }
0x48: {  	_ =	shalt  }
0x49: {  	_ =	shalt  }
0x4a: {  	_ =	shalt  }
0x4b: {  	_ =	shalt  }
0x4c: {  	_ =	shalt  }
0x4d: {  	_ =	shalt  }
0x4e: {  	_ =	shalt  }
0x4f: {  	_ =	shalt  }
0x50: {  	_ =	shalt  }
0x51: {  	_ =	shalt  }
0x52: {  	_ =	shalt  }
0x53: {  	_ =	shalt  }
0x54: {  	_ =	shalt  }
0x55: {  	_ =	shalt  }
0x56: {  	_ =	shalt  }
0x57: {  	_ =	shalt  }
0x58: {  	_ =	shalt  }
0x59: {  	_ =	shalt  }
0x5a: {  	_ =	shalt  }
0x5b: {  	_ =	shalt  }
0x5c: {  	_ =	shalt  }
0x5d: {  	_ =	shalt  }
0x5e: {  	_ =	shalt  }
0x5f: {  	_ =	shalt  }
0x60: {  	_ =	shalt  }
0x61: {  	_ =	shalt  }
0x62: {  	_ =	shalt  }
0x63: {  	_ =	shalt  }
0x64: {  	_ =	shalt  }
0x65: {  	_ =	shalt  }
0x66: {  	_ =	shalt  }
0x67: {  	_ =	shalt  }
0x68: {  	_ =	shalt  }
0x69: {  	_ =	shalt  }
0x6a: {  	_ =	shalt  }
0x6b: {  	_ =	shalt  }
0x6c: {  	_ =	shalt  }
0x6d: {  	_ =	shalt  }
0x6e: {  	_ =	shalt  }
0x6f: {  	_ =	shalt  }
0x70: {  	_ =	shalt  }
0x71: {  	_ =	shalt  }
0x72: {  	_ =	shalt  }
0x73: {  	_ =	shalt  }
0x74: {  	_ =	shalt  }
0x75: {  	_ =	shalt  }
0x76: {  	_ =	shalt  }
0x77: {  	_ =	shalt  }
0x78: {  	_ =	shalt  }
0x79: {  	_ =	shalt  }
0x7a: {  	_ =	shalt  }
0x7b: {  	_ =	shalt  }
0x7c: {  	_ =	shalt  }
0x7d: {  	_ =	shalt  }
0x7e: {  	_ =	shalt  }
0x7f: {  	_ =	shalt  }
0x80: {  	_ =	shalt  }
0x81: {  	_ =	shalt  }
0x82: {  	_ =	shalt  }
0x83: {  	_ =	shalt  }
0x84: {  	_ =	shalt  }
0x85: {  	_ =	shalt  }
0x86: {  	_ =	shalt  }
0x87: {  	_ =	shalt  }
.Lfunc_end0:
.L_simem_size_0:
called_computation_lowered:
.L_overlay_start_0:
0x88: {  	s2 =	sld [smem:$0x3FD9]  }
0x89: {  	s3 =	sld [smem:$0x3FFE];
	_ =	sdelay $0x1  }
0x8a: {  	s1 =	srdreg.scid  }
0x8b: {  	s0 =	sand.u32 $0x1, s1  }
0x8c: {  	s17 =	sshll.u32 s0, $0xA;
	s2 =	sadd.s32 s3, s2  }
0x8d: {  	s2 =	sadd.s32 s2, s17  }
0x8e: {  	[smem:$0x3FC1] =	sst s2  }
0x8f: {  	_ = 	snop  }
0x90: {  	s2 =	sld [smem:$0x3FD0];
	(tm) =	ssettm $0x1  }
0x91: {  	s18 =	sld [smem:$0x3FFB];
	_ =	sdelay $0x3  }
0x92: {  	_ =	strace s18  }
0x93: {  	s3 =	sld [smem:$0x3FFC];
	_ =	sdelay $0x3  }
0x94: {  	_ =	strace s3  }
0x95: {  	s3 =	sld [smem:$0x3FFD];
	_ =	sdelay $0x3  }
0x96: {  	_ =	strace s3  }
0x97: {  	_ =	strace $0x8FFFFFFF  }
0x98: {  	s19 =	sld [smem:$0x3FDB];
	_ =	sdelay $0x1  }
0x99: {  	s4 =	simm.s32 $_scs_section_size  }
0x9a: {  	s5 =	simm.s32 $_size__tile_overlayer_lowered;
	s6 =	simm.s32 $_tile_overlayer_lowered  }
0x9b: {  	s22 =	simm.s32 $0x1BFF;
	s21 =	sshll.u32 s6, $0x1;
	s3 =	sadd.s32 s4, s19  }
0x9c: {  	s7 =	simm.s32 $0x0;
	s20 =	sshll.u32 s5, $0x1;
	s5 =	sadd.s32 s21, s3  }
0x9d: {  	[timem:s7], [sflag:s22] =	dma.local [hbm:s5], s20  }
0x9e: {  	_ =	swait.ge [sflag:s22], s20  }
0x9f: {  	s4 =	ssub.s32 $0x0, s20;
	[sflag:s22] =	ssyncset.done $0x0  }
0xa0: {  	[sflag:s22] =	ssyncadd.s32 s4;
	_ =	sdelay $0x1  }
0xa1: {  	s23 =	simm.s32 $0x1B8B  }
0xa2: {  	_ =	swait.ge [sflag:s23], $0x1  }
0xa3: {  	[sflag:s23] =	ssyncset.done $0x0  }
0xa4: {  	s25 =	simm.s32 $0x1B8E;
	s24 =	sld [smem:$0x3FFE];
	[sflag:s23] =	ssyncadd.s32 $0xFFFFFFFF  }
0xa5: {  	s26 =	simm.s32 $execute0_lowered;
	[smem:$0x3FD2] =	sst s25  }
0xa6: {  	s5 =	sshll.u32 s26, $0x1;
	_ =	strace $0x80000046;
	[dreg:$0x1] =	wrdreg $0xFFFFFFFF  }
0xa7: {  	s28 =	simm.s32 $_size_execute0_lowered;
	s3 =	sadd.s32 s3, s5;
	[dreg:$0x0] =	wrdreg $0x0  }
0xa8: {  	s5 =	sshll.u32 s28, $0x1;
	[dreg:$0x2] =	wrdreg s3  }
0xa9: {  	[dreg:$0x3] =	wrdreg s5  }
0xaa: {  	[dreg:$0x4] =	wrdreg $0xC0  }
0xab: {  	_ =	task [dreg:s7], $0x5FFFF  }
0xac: {  	[dreg:$0x1] =	wrdreg $0xFFFFFFFF  }
0xad: {  	[dreg:$0x0] =	wrdreg $0x60  }
0xae: {  	[dreg:$0x2] =	wrdreg s24  }
0xaf: {  	[dreg:$0x3] =	wrdreg s2  }
0xb0: {  	[dreg:$0x4] =	wrdreg $0xE0000  }
0xb1: {  	[dreg:$0x5] =	wrdreg $0x100000  }
0xb2: {  	[dreg:$0x6] =	wrdreg $0x9  }
0xb3: {  	_ =	task.clear_ibuf [dreg:s7], $0x7FFFF;
	_ =	strace $0x90000046  }
0xb4: {  	s29 =	simm.s32 $0x9;
	_ =	strace $0x80000048  }
0xb5: {  	_ =	swait.ge [sflag:s29], $0x1  }
0xb6: {  	[sflag:s29] =	ssyncadd.s32 $0xFFFFFFFF  }
0xb7: {  	_ =	strace $0x90000048  }
0xb8: {  	_ =	sfence  }
0xb9: {  	s30 =	sld [smem:$0x0];
	_ =	sdelay $0x2  }
0xba: {  	s31 =	sshll.u32 s1, $0xD;
	s1 =	sshrl.u32 s1, $0x2  }
0xbb: {  	s3 =	sand.u32 $0x4000, s31;
	s1 =	sadd.s32 s1, s30  }
0xbc: {  	s0 =	sor.u32 s3, s0;
	s1 =	sshll.u32 s1, $0x11  }
0xbd: {  	s0 =	sor.u32 s1, s0  }
0xbe: {  	s0 =	sadd.s32 $0x8F2B, s0  }
0xbf: {  	[sflag:s0] =	ssyncadd.remote.s32 $0x1  }
0xc0: {  	_ =	sfence.sel $0xFFFF  }
0xc1: {  	[dreg:$0x0] =	wrdreg $0xFFFFFFFF;
	(pc) =	sbr.abs _section_cstart, $3  }
0xc2: {  	[dreg:$0x1] =	wrdreg $0xFFFFFFFF  }
0xc3: {  	_ =	task.clear_ibuf [dreg:s7], $0x2FFFF;
	_ =	strace $0x9FFFFFFF  }
0xc4: {  	(tm) =	ssettm $0x7FFFFFFF  }
0xc5: {  	_ =	shalt  }
tec
execute0_lowered:
.L_overlay_start_1:
0x0: {  	(tag) =	ssettag $0x1  }
0x1: {  	s6 =	rddreg [dreg:$0x0]  }
0x2: {  	s1 =	rddreg [dreg:$0x1]  }
0x3: {  	s2 =	rddreg [dreg:$0x2]  }
0x4: {  	s3 =	rddreg [dreg:$0x3]  }
0x5: {  	s0 =	rddreg [dreg:$0x4];
	s5 =	srdreg.scid  }
0x6: {  	s14 =	stileid.u32;
	s4 =	simm.s32 $0x0;
	s18 =	simm.s32 $0x9000  }
0x7: {  	s19 =	simm.s32 $0x1;
	s20 =	simm.s32 $0x50;
	s21 =	simm.s32 $0x3E00  }
0x8: {  	s22 =	simm.s32 $0x0;
	s10 =	sand.u32 $0x1, s5;
	s28 =	sshll.u32 s14, $0x1  }
0x9: {  	[smem:$0x7FF] =	sst s4;
	s11 =	sadd.s32 $0x11200, s6;
	s12 =	sadd.s32 $0x4F3200, s6  }
0xa: {  	s17 =	smul.u32 $0x4E200, s14;
	p0 =	sne.s32 s14, $0x0;
	s5 =	sor.u32 s10, s28  }
0xb: {  	_ =	strace $0x80000047;
	s8 =	ssub.s32 $0x2, s10;
	s9 =	sshll.u32 s10, $0xE  }
0xc: {  	s29 =	smul.u32 $0x27100, s10;
	s14 =	sshrl.u32 @!p0 s2, $0x3;
	s7 =	sshll.u32 s5, $0xB  }
0xd: {  	s13 =	sshrl.u32 s8, $0x1;
	s15 =	smul.u32 $0x27100, s5;
	s5 =	sadd.s32 $0x9D5200, s6  }
0xe: {  	s16 =	sadd.s32 s9, s6;
	s30 =	sadd.s32 s17, s11;
	s7 =	sadd.s32 s7, s6  }
0xf: {  	s13 =	ssub.s32 s8, s13;
	s9 =	sadd.s32 $0x9D9200, s16;
	s10 =	sadd.s32 $0x9E1200, s16  }
0x10: {  	s31 =	sadd.s32 s29, s30;
	s16 =	simm.s32 $0x2;
	s6 =	sadd.s32 $0x1200, s7  }
0x11: {  	s7 =	sadd.s32 s11, s15;
	s8 =	sadd.s32 s12, s15;
	s12 =	sadd.s32 s17, s12  }
0x12: {  	s11 =	smax.u32 s13, $0x1;
	s17 =	simm.s32 $0x4000;
	s15 =	sadd.s32 s29, s12  }
0x13: {  	s12 =	sadd.s32 $0x500, s31;
	s13 =	sadd.s32 $0x500, s15;
	s15 =	sshrl.u32 @!p0 s3, $0x3  }
.LBB2_1:
0x14: {  	s23 =	simm.s32 @!p0 $0x1C02;
	s24 =	simm.s32 @!p0 $0x2  }
0x15: {  	[spmem:s14], [sflag:s23] =	dma.local @!p0 [hbm:s1], $0x4000  }
0x16: {  	_ =	swait.ge @!p0 [sflag:s24], $0x4000  }
0x17: {  	[sflag:s24] =	ssyncset.done @!p0 $0x0  }
0x18: {  	[sflag:s24] =	ssyncadd.s32 @!p0 $0xFFFFC000  }
0x19: {  	[spmem:s15], [sflag:s23] =	dma.local @!p0 [hbm:s5], $0x4000  }
0x1a: {  	_ =	swait.ge @!p0 [sflag:s24], $0x4000  }
0x1b: {  	[sflag:s24] =	ssyncset.done @!p0 $0x0  }
0x1c: {  	[sflag:s24] =	ssyncadd.s32 @!p0 $0xFFFFC000  }
0x1d: {  	[tilespmem:s4], [sflag:$0x2] =	stream.linear.gather [hbm4b:s6+s4], $0x3E80, $0x38;
	[tilespmem:$0x10400] =	vst v63  }
0x1e: {  	_ =	swait.ge [sflag:s16], $0x3E80  }
0x1f: {  	[sflag:s16] =	ssyncset.done $0x0  }
0x20: {  	[sflag:s16] =	ssyncadd.s32 $0xFFFFC180  }
0x21: {  	[tilespmem:s17], [sflag:$0x1] =	stream.linear.gather [hbm4b:s7+s4], $0x2800, $0x38;
	[tilespmem:$0x10400] =	vst v63  }
0x22: {  	_ = 	snop  }
0x23: {  	[tilespmem:s18], [sflag:$0x1] =	stream.linear.gather [hbm4b:s8+s4], $0x2800, $0x38;
	[tilespmem:$0x10400] =	vst v63  }
0x24: {  	[bflag:$0x0] =	sbarrier.arrive $0xFFFF  }
0x25: {  	_ =	swait.ge [sflag:s19], $0x2800  }
0x26: {  	s29 =	sand.u32 $0x1, s4;
	[sflag:s19] =	ssyncset.done $0x0  }
0x27: {  	s30 =	sxor.u32 $0x1, s29;
	[sflag:s19] =	ssyncadd.s32 $0xFFFFD800  }
0x28: {  	s24 =	smul.u32 $0x2800, s30;
	_ =	swait.ge [sflag:s19], $0x2800  }
0x29: {  	[sflag:s19] =	ssyncset.done $0x0  }
0x2a: {  	s25 =	sor.u32 $0x4000, s24;
	[sflag:s19] =	ssyncadd.s32 $0xFFFFD800  }
0x2b: {  	[tilespmem:s25], [sflag:$0x1] =	stream.linear.gather [hbm4b:s12+s4], $0x2800, $0x38;
	[tilespmem:$0x10400] =	vst v63  }
0x2c: {  	s23 =	smul.u32 $0x2800, s29;
	s24 =	sadd.s32 $0x9000, s24  }
0x2d: {  	[tilespmem:s24], [sflag:$0x1] =	stream.linear.gather [hbm4b:s13+s4], $0x2800, $0x38;
	[tilespmem:$0x10400] =	vst v63  }
0x2e: {  	s31 =	sor.u32 $0x4000, s23  }
0x2f: {  	[spmem:s2] =	stream.indirect.scatter.add.f32 [tilespmem:s31], [sflag:$0x2], $0x80, s4, s20, $0xb8;
	[tilespmem:$0x10400] =	vst v63  }
0x30: {  	_ =	swait.ge [sflag:s16], $0x2800  }
0x31: {  	[sflag:s16] =	ssyncset.done $0x0  }
0x32: {  	s23 =	sadd.s32 $0x9000, s23;
	[sflag:s16] =	ssyncadd.s32 $0xFFFFD800  }
0x33: {  	[spmem:s3] =	stream.indirect.scatter.add.f32 [tilespmem:s23], [sflag:$0x2], $0x10, s4, s20, $0xb8;
	[tilespmem:$0x10400] =	vst v63  }
0x34: {  	s26 =	smov.u32 s12;
	s25 =	simm.s32 $0x0;
	_ =	swait.ge [sflag:s16], $0x500  }
0x35: {  	s24 =	sadd.s32 $0x500, s13;
	s23 =	simm.s32 $0x1;
	[sflag:s16] =	ssyncset.done $0x0  }
.LBB2_2:
0x36: {  	[sflag:s16] =	ssyncadd.s32 $0xFFFFFB00  }
0x37: {  	s25 =	sadd.s32 $0x80, s25;
	s26 =	sadd.s32 $0x500, s26;
	s28 =	smov.u32 s23  }
0x38: {  	p1 =	sne.s32 s23, $0x7B;
	s23 =	sadd.s32 $0x1, s23;
	_ =	swait.ge [sflag:s19], $0x2800  }
0x39: {  	s28 =	sand.u32 $0x1, s28;
	[sflag:s19] =	ssyncset.done $0x0  }
0x3a: {  	s29 =	smul.u32 $0x2800, s28;
	s28 =	sxor.u32 $0x1, s28;
	[sflag:s19] =	ssyncadd.s32 $0xFFFFD800  }
0x3b: {  	s28 =	smul.u32 $0x2800, s28;
	_ =	swait.ge [sflag:s19], $0x2800  }
0x3c: {  	[sflag:s19] =	ssyncset.done $0x0  }
0x3d: {  	s30 =	sor.u32 $0x4000, s28;
	[sflag:s19] =	ssyncadd.s32 $0xFFFFD800  }
0x3e: {  	[tilespmem:s30], [sflag:$0x1] =	stream.linear.gather [hbm4b:s26+s4], $0x2800, $0x38;
	[tilespmem:$0x10400] =	vst v63  }
0x3f: {  	s28 =	sadd.s32 $0x9000, s28  }
0x40: {  	[tilespmem:s28], [sflag:$0x1] =	stream.linear.gather [hbm4b:s24+s4], $0x2800, $0x38;
	[tilespmem:$0x10400] =	vst v63  }
0x41: {  	s28 =	sor.u32 $0x4000, s29  }
0x42: {  	[spmem:s2] =	stream.indirect.scatter.add.f32 [tilespmem:s28], [sflag:$0x2], $0x80, s25, s20, $0xb8;
	[tilespmem:$0x10400] =	vst v63  }
0x43: {  	_ =	swait.ge [sflag:s16], $0x2800  }
.Ltmp0:
0x44: {  	[sflag:s16] =	ssyncset.done $0x0;
	(pc) =	sbr.rel @p1 .LBB2_2-.Ltmp0, $4  }
0x45: {  	s28 =	sadd.s32 $0x9000, s29;
	[sflag:s16] =	ssyncadd.s32 $0xFFFFD800  }
0x46: {  	[spmem:s3] =	stream.indirect.scatter.add.f32 [tilespmem:s28], [sflag:$0x2], $0x10, s25, s20, $0xb8;
	[tilespmem:$0x10400] =	vst v63  }
0x47: {  	_ =	swait.ge [sflag:s16], $0x500  }
0x48: {  	s24 =	sadd.s32 $0x500, s24;
	[sflag:s16] =	ssyncset.done $0x0  }
0x49: {  	[sflag:s16] =	ssyncadd.s32 $0xFFFFFB00  }
0x4a: {  	_ =	swait.ge [sflag:s19], $0x2800  }
0x4b: {  	[sflag:s19] =	ssyncset.done $0x0  }
0x4c: {  	[sflag:s19] =	ssyncadd.s32 $0xFFFFD800  }
0x4d: {  	_ =	swait.ge [sflag:s19], $0x2800  }
0x4e: {  	[sflag:s19] =	ssyncset.done $0x0  }
0x4f: {  	[sflag:s19] =	ssyncadd.s32 $0xFFFFD800  }
0x50: {  	[spmem:s2] =	stream.indirect.scatter.add.f32 [tilespmem:s17], [sflag:$0x2], $0x80, s21, s20, $0xb8;
	[tilespmem:$0x10400] =	vst v63  }
0x51: {  	_ =	swait.ge [sflag:s16], $0x2800  }
0x52: {  	[sflag:s16] =	ssyncset.done $0x0  }
0x53: {  	[sflag:s16] =	ssyncadd.s32 $0xFFFFD800  }
0x54: {  	[spmem:s3] =	stream.indirect.scatter.add.f32 [tilespmem:s18], [sflag:$0x2], $0x10, s21, s20, $0xb8;
	[tilespmem:$0x10400] =	vst v63  }
0x55: {  	_ =	swait.ge [sflag:s16], $0x500  }
0x56: {  	[sflag:s16] =	ssyncset.done $0x0  }
0x57: {  	[sflag:s16] =	ssyncadd.s32 $0xFFFFFB00  }
0x58: {  	s23 =	simm.s32 @!p0 $0x1C02;
	s24 =	simm.s32 @!p0 $0x2;
	[bflag:$0x0] =	sbarrier.arrive $0xFFFF  }
0x59: {  	[hbm:s9], [sflag:s23] =	dma.local @!p0 [spmem:s14], $0x4000  }
0x5a: {  	s22 =	sadd.s32 $0x1, s22;
	_ =	swait.ge @!p0 [sflag:s24], $0x4000  }
0x5b: {  	p1 =	sne.s32 s22, s11;
	[sflag:s24] =	ssyncset.done @!p0 $0x0  }
.Ltmp1:
0x5c: {  	[sflag:s24] =	ssyncadd.s32 @!p0 $0xFFFFC000;
	(pc) =	sbr.rel @p1 .LBB2_1-.Ltmp1, $4  }
0x5d: {  	[hbm:s10], [sflag:s23] =	dma.local @!p0 [spmem:s15], $0x4000  }
0x5e: {  	_ =	swait.ge @!p0 [sflag:s24], $0x4000  }
0x5f: {  	[sflag:s24] =	ssyncset.done @!p0 $0x0  }
0x60: {  	[sflag:s24] =	ssyncadd.s32 @!p0 $0xFFFFC000  }
0x61: {  	_ =	sfence.sel $0x180000  }
0x62: {  	[bflag:$0x0] =	sbarrier.arrive $0xFFFF  }
0x63: {  	_ =	strace $0x90000047  }
0x64: {  	s0 =	sadd.s32 @!p0 $0x100000, s0;
	[bflag:$0x2] =	sbarrier.arrive $0xFFFF  }
0x65: {  	[sflag:s0] =	ssyncadd.tile.s32 @!p0 $0x1;
	_ =	shalt  }
.Lfunc_end2:
_tile_overlayer_lowered:
.L_overlay_start_2:
0x66: {  	(tag) =	ssettag $0x2  }
0x67: {  	s0 =	rddreg [dreg:$0x0];
	s2 =	stileid.u32  }
0x68: {  	s1 =	rddreg [dreg:$0x1];
	p0 =	sne.s32 s2, $0x0  }
0x69: {  	s3 =	rddreg [dreg:$0x2];
	[bflag:$0x3] =	sbarrier.arrive $0xFFFF;
	s2 =	simm.s32 @!p0 $0x1C02  }
0x6a: {  	[timem:s3], [sflag:s2] =	dma.local @!p0 [hbm:s0], s1  }
0x6b: {  	s0 =	simm.s32 @!p0 $0x2  }
0x6c: {  	_ =	swait.ge @!p0 [sflag:s0], s1  }
0x6d: {  	s1 =	ssub.s32 @!p0 $0x0, s1;
	[sflag:s0] =	ssyncset.done @!p0 $0x0  }
0x6e: {  	[sflag:s0] =	ssyncadd.s32 @!p0 s1  }
0x6f: {  	[bflag:$0x3] =	sbarrier.arrive $0xFFFF  }
0x70: {  	_ =	shalt  }

</sc_bundles>
